<compile_context>
chip_gen: v7x
topology: tpu7x:2x2x1
jax: 0.10.2.dev20260603
libtpu: 0.0.44.dev20260713+nightly
codegen_flags: <defaults>
</compile_context>

<pallas_src>
import functools

import jax
import jax.numpy as jnp
import numpy as np
from jax import lax
from jax.experimental import pallas as pl
from jax.experimental.pallas import tpu as pltpu
from jax.experimental.pallas import tpu_sc as plsc

_NUM_STEPS = 150
_B = 512
_STEP = np.float32(2.0 / (_NUM_STEPS - 1))
_TRI_SIZE = np.float32(_B * (_B - 1) // 2)

_NW = 32
_E = _B * _B
_EPW = _E // _NW
_HIST = 1024
_NEG_BASE = 8
_POS_BASE = 520
_DUMP = 208
_UP_OFF = 257


def _upper_mask():
    t = (jnp.arange(_NUM_STEPS, dtype=jnp.float32) * float(_STEP) - 1.0)[:, None]
    svals = (t + float(_STEP) / 2.0).reshape(1, _NUM_STEPS)
    s_repeat = jnp.tile(svals, (_NUM_STEPS, 1))
    delta_repeat = (jnp.floor((s_repeat + 1.0) / float(_STEP)) * float(_STEP)
                    - 1.0).astype(jnp.float32)
    indsa = delta_repeat == (t - float(_STEP))
    sub = jnp.diagonal(indsa, offset=-1)
    amask = jnp.concatenate([jnp.ones((1,), jnp.bool_), sub])
    amask = amask.astype(jnp.float32).reshape(1, _NUM_STEPS)
    pad = jnp.zeros((1, 160 - _NUM_STEPS), jnp.float32)
    return jnp.concatenate([amask, pad], axis=1)


def _prep_kernel(f_ref, cls_row_ref, cls_col_ref, packed_ref, ps_ref):
    feats = f_ref[...]
    dists = lax.dot_general(
        feats, feats,
        dimension_numbers=(((1,), (1,)), ((), ())),
        preferred_element_type=jnp.float32,
    )
    u = (dists + 1.0) / _STEP
    kf = jnp.floor(u)
    av_fix = ((u - kf) * 65535.0 + 0.5).astype(jnp.int32)
    k_i = kf.astype(jnp.int32)

    row_i = lax.broadcasted_iota(jnp.int32, (_B, _B), 0)
    col_i = lax.broadcasted_iota(jnp.int32, (_B, _B), 1)
    tri = col_i > row_i
    eq = cls_row_ref[...] == cls_col_ref[...]
    base = jnp.where(tri,
                     jnp.where(eq, _POS_BASE, _NEG_BASE) + k_i,
                     _DUMP)
    kaddr = (col_i & 15) * _HIST + base
    packed_ref[...] = (kaddr << 16) | av_fix
    posm = jnp.where(tri & eq, 1.0, 0.0).astype(jnp.float32)
    ps_ref[...] = jnp.sum(posm, keepdims=True)


def _sc_hist_kernel(packed_hbm, zeros_hbm, out_hbm, kv, hist, sem1, sem2):
    wid = lax.axis_index("s") * 2 + lax.axis_index("c")
    base = wid * _EPW
    c1 = pltpu.make_async_copy(packed_hbm.at[pl.ds(base, _EPW)], kv, sem1)
    c2 = pltpu.make_async_copy(zeros_hbm, hist, sem2)
    c1.start()
    c2.start()
    c1.wait()
    c2.wait()
    inv = np.float32(1.0 / 65535.0)

    def body(i, carry):
        for j in range(8):
            w16 = kv[pl.ds((i * 8 + j) * 16, 16)]
            k16 = lax.shift_right_arithmetic(w16, 16)
            a16 = (w16 & 0xFFFF).astype(jnp.float32) * inv
            plsc.addupdate_scatter(hist, [k16], 1.0 - a16)
            plsc.addupdate_scatter(hist, [k16 + _UP_OFF], a16)
        return carry

    lax.fori_loop(0, _EPW // (16 * 8), body, 0)
    pltpu.sync_copy(hist, out_hbm.at[wid])


def _finish_kernel(h_ref, amask_ref, ps_ref, out_ref):
    h = jnp.sum(h_ref[...], axis=0, keepdims=True)
    amask = amask_ref[...][:, :152]
    neg_lo = h[:, _NEG_BASE:_NEG_BASE + 152]
    neg_up = h[:, _NEG_BASE + 256:_NEG_BASE + 256 + 152]
    pos_lo = h[:, _POS_BASE:_POS_BASE + 152]
    pos_up = h[:, _POS_BASE + 256:_POS_BASE + 256 + 152]
    neg = neg_lo + neg_up * amask
    pos = pos_lo + pos_up * amask

    li = lax.broadcasted_iota(jnp.int32, (152, 152), 0)
    lj = lax.broadcasted_iota(jnp.int32, (152, 152), 1)
    m = (li <= lj).astype(jnp.float32)
    tmp = lax.dot_general(
        pos, m, dimension_numbers=(((1,), (0,)), ((), ())),
        preferred_element_type=jnp.float32,
        precision=lax.Precision.HIGHEST,
    )
    ps = ps_ref[0, 0]
    ns = _TRI_SIZE - ps
    out_ref[...] = (jnp.sum(tmp * neg, axis=1, keepdims=True)
                    / (ps * ns))


_sc_hist = functools.partial(
    pl.kernel,
    out_type=jax.ShapeDtypeStruct((_NW, 16 * _HIST), jnp.float32),
    mesh=plsc.VectorSubcoreMesh(core_axis_name="c", subcore_axis_name="s",
                                num_cores=2, num_subcores=16),
    scratch_types=[
        pltpu.VMEM((_EPW,), jnp.int32),
        pltpu.VMEM((16 * _HIST,), jnp.float32),
        pltpu.SemaphoreType.DMA,
        pltpu.SemaphoreType.DMA,
    ],
    compiler_params=pltpu.CompilerParams(needs_layout_passes=False),
)(_sc_hist_kernel)


@jax.jit
def kernel(features, classes):
    cls_row = classes.reshape(_B, 1)
    cls_col = classes.reshape(1, _B)
    packed, ps = pl.pallas_call(
        _prep_kernel,
        out_shape=(
            jax.ShapeDtypeStruct((_B, _B), jnp.int32),
            jax.ShapeDtypeStruct((1, 1), jnp.float32),
        ),
    )(features, cls_row, cls_col)

    zeros = jnp.zeros((16 * _HIST,), jnp.float32)
    hists = _sc_hist(packed.reshape(_E), zeros)

    out = pl.pallas_call(
        _finish_kernel,
        out_shape=jax.ShapeDtypeStruct((1, 1), jnp.float32),
    )(hists.reshape(_NW * 16, _HIST), _upper_mask(), ps)
    return out[0, 0]

# --- scband reference (transcript-rebuilt; emitter-appended) ---
"""Pipeline reference for scband-histogram-loss-76957224010108 (READ-ONLY COPY).

The authoritative reference and input builder live on the scoring server;
editing this copy changes nothing except your own understanding.
"""

import jax, jax.numpy as jnp
import numpy as np

NUM_STEPS = 150
B = 512
D = 256
N_CLASSES = 32


def setup_inputs(seed: int = 0) -> dict:
    key = jax.random.key(seed)
    k1, k2 = jax.random.split(key)
    features = jax.random.normal(k1, (B, D), dtype=jnp.float32)
    # L2-normalize so pairwise dot products lie in [-1, 1], as the histogram
    # bins assume (standard usage for this loss on embedding vectors).
    features = features / jnp.linalg.norm(features, axis=1, keepdims=True)
    classes = jax.random.randint(k2, (B,), 0, N_CLASSES, dtype=jnp.int32)
    return {"features": features, "classes": classes}


def reference(features, classes):
    num_steps = NUM_STEPS
    step = 2.0 / (num_steps - 1)
    # torch.range(-1, 1, step) -> t[k] = -1 + k*step, inclusive, 150 values
    t = (jnp.arange(num_steps, dtype=jnp.float32) * step - 1.0)[:, None]
    tsize = num_steps
    n = features.shape[0]

    classes_eq = classes[None, :] == classes[:, None]
    dists = features @ features.T

    iu = jnp.triu_indices(n, k=1)  # strict upper triangle, same order as torch mask indexing
    s = dists[iu]                   # [P]
    eq_s = classes_eq[iu]           # [P]

    pos_inds = jnp.tile(eq_s[None, :], (tsize, 1))
    neg_inds = ~pos_inds
    pos_size = eq_s.sum().astype(jnp.float32)
    neg_size = (~eq_s).sum().astype(jnp.float32)

    s_repeat = jnp.tile(s[None, :], (tsize, 1))
    delta_repeat = (jnp.floor((s_repeat + 1.0) / step) * step - 1.0).astype(jnp.float32)

    def histogram(inds, size):
        indsa = (delta_repeat == (t - step)) & inds
        indsb = (delta_repeat == t) & inds
        a_val = (s_repeat - t + step) / step
        b_val = (-s_repeat + t + step) / step
        s_rep = jnp.where(indsa, a_val, jnp.where(indsb, b_val, 0.0))
        return s_rep.sum(axis=1) / size

    histogram_pos = histogram(pos_inds, pos_size)
    histogram_neg = histogram(neg_inds, neg_size)

    hp_rep = jnp.tile(histogram_pos[:, None], (1, tsize))
    tril_mask = jnp.tril(jnp.ones((tsize, tsize), dtype=bool), -1)
    hp_rep = jnp.where(tril_mask, 0.0, hp_rep)
    histogram_pos_cdf = hp_rep.sum(axis=0)

    loss = jnp.sum(histogram_neg * histogram_pos_cdf)
    return loss

if __name__ == "__main__":
    import jax
    _d = setup_inputs()
    print(jax.jit(kernel)(*tuple(_d.values())))

</pallas_src>

<mosaic_0001>
#map = affine_map<(d0, d1) -> (0)>
#map1 = affine_map<(d0, d1) -> (0, 0)>
module attributes {stable_mosaic.version = 14 : i64} {
  func.func @_sc_hist_kernel(%arg0: i32, %arg1: i32, %arg2: memref<262144xi32, #tpu.memory_space<hbm>>, %arg3: memref<16384xf32, #tpu.memory_space<hbm>>, %arg4: memref<32x16384xf32, #tpu.memory_space<hbm>>, %arg5: memref<8192xi32, #tpu.memory_space<vmem>>, %arg6: memref<16384xf32, #tpu.memory_space<vmem>>, %arg7: memref<!tpu.dma_semaphore, #tpu.memory_space<semaphore_mem>>, %arg8: memref<!tpu.dma_semaphore, #tpu.memory_space<semaphore_mem>>) attributes {dimension_semantics = [#tpu.dimension_semantics<core_parallel>, #tpu.dimension_semantics<subcore_parallel>], iteration_bounds = array<i64: 2, 16>, scalar_prefetch = 0 : i64, scratch_operands = 4 : i64, tpu.core_type = #tpu.core_type<sc_vector_subcore>, window_params = [{transform_indices = #map}, {transform_indices = #map}, {transform_indices = #map1}]} {
    %mul3A = arith.constant 2 : i32
    %mul3A_0 = arith.muli %arg1, %mul3A : i32
    %add3A = arith.addi %mul3A_0, %arg0 : i32
    %mul3A_1 = arith.constant 8192 : i32
    %mul3A_2 = arith.muli %add3A, %mul3A_1 : i32
    %dma_start3A = tpu.memref_slice %arg2[%mul3A_2] : memref<262144xi32, #tpu.memory_space<hbm>> -> memref<8192xi32, #tpu.memory_space<hbm>>
    %dma_start3A_3 = tpu.memref_slice %arg2[%mul3A_2] : memref<262144xi32, #tpu.memory_space<hbm>> -> memref<8192xi32, #tpu.memory_space<hbm>>
    tpu.enqueue_dma source(%dma_start3A_3 : memref<8192xi32, #tpu.memory_space<hbm>>) target(%arg5 : memref<8192xi32, #tpu.memory_space<vmem>>) target_semaphore(%arg7 : memref<!tpu.dma_semaphore, #tpu.memory_space<semaphore_mem>>)
    tpu.enqueue_dma source(%arg3 : memref<16384xf32, #tpu.memory_space<hbm>>) target(%arg6 : memref<16384xf32, #tpu.memory_space<vmem>>) target_semaphore(%arg8 : memref<!tpu.dma_semaphore, #tpu.memory_space<semaphore_mem>>)
    %dma_wait3A = tpu.memref_slice %arg2[%mul3A_2] : memref<262144xi32, #tpu.memory_space<hbm>> -> memref<8192xi32, #tpu.memory_space<hbm>>
    %dma_wait3A_4 = tpu.memref_slice %arg2[%mul3A_2] : memref<262144xi32, #tpu.memory_space<hbm>> -> memref<8192xi32, #tpu.memory_space<hbm>>
    tpu.wait_dma2 semaphore(%arg7 : memref<!tpu.dma_semaphore, #tpu.memory_space<semaphore_mem>>) src(%dma_wait3A_4 : memref<8192xi32, #tpu.memory_space<hbm>>) dst(%arg5 : memref<8192xi32, #tpu.memory_space<vmem>>)
    tpu.wait_dma2 semaphore(%arg8 : memref<!tpu.dma_semaphore, #tpu.memory_space<semaphore_mem>>) src(%arg3 : memref<16384xf32, #tpu.memory_space<hbm>>) dst(%arg6 : memref<16384xf32, #tpu.memory_space<vmem>>)
    %scan3A = arith.constant 0 : i32
    %scan3A_5 = arith.constant 0 : i32
    %scan3A_6 = arith.constant 64 : i32
    %scan3A_7 = arith.addi %scan3A_5, %scan3A_6 : i32
    %scan3A_8 = arith.constant 1 : i32
    scf.for %scan3A_10 = %scan3A_5 to %scan3A_7 step %scan3A_8  : i32 {
      %mul3A_11 = arith.constant 8 : i32
      %mul3A_12 = arith.muli %scan3A_10, %mul3A_11 : i32
      %add3A_13 = arith.constant 0 : i32
      %add3A_14 = arith.addi %mul3A_12, %add3A_13 : i32
      %mul3A_15 = arith.constant 16 : i32
      %mul3A_16 = arith.muli %add3A_14, %mul3A_15 : i32
      %get3A = arith.index_cast %mul3A_16 : i32 to index
      %get3A_17 = tpu.vector_load %arg5[%get3A] {strides = array<i32>} : memref<8192xi32, #tpu.memory_space<vmem>>, vector<16xi32>,
      %shift_right_arithmetic3A = arith.constant 16 : i32
      %shift_right_arithmetic3A_18 = vector.broadcast %shift_right_arithmetic3A : i32 to vector<16xi32>
      %shift_right_arithmetic3A_19 = arith.shrsi %get3A_17, %shift_right_arithmetic3A_18 : vector<16xi32>
      %and3A = arith.constant 65535 : i32
      %and3A_20 = vector.broadcast %and3A : i32 to vector<16xi32>
      %and3A_21 = arith.andi %get3A_17, %and3A_20 : vector<16xi32>
      %convert_element_type3A = arith.sitofp %and3A_21 : vector<16xi32> to vector<16xf32>
      %mul3A_22 = arith.constant 1.52590219E-5 : f32
      %mul3A_23 = vector.broadcast %mul3A_22 : f32 to vector<16xf32>
      %mul3A_24 = arith.mulf %convert_element_type3A, %mul3A_23 : vector<16xf32>
      %sub3A = arith.constant 1.000000e+00 : f32
      %sub3A_25 = vector.broadcast %sub3A : f32 to vector<16xf32>
      %sub3A_26 = arith.subf %sub3A_25, %mul3A_24 : vector<16xf32>
      tpu.vector_store_idx %arg6[%shift_right_arithmetic3A_19], %sub3A_26 {add = true} : memref<16384xf32, #tpu.memory_space<vmem>>[vector<16xi32>], vector<16xf32>,
      %add3A_27 = arith.constant 257 : i32
      %add3A_28 = vector.broadcast %add3A_27 : i32 to vector<16xi32>
      %add3A_29 = arith.addi %shift_right_arithmetic3A_19, %add3A_28 : vector<16xi32>
      tpu.vector_store_idx %arg6[%add3A_29], %mul3A_24 {add = true} : memref<16384xf32, #tpu.memory_space<vmem>>[vector<16xi32>], vector<16xf32>,
      %mul3A_30 = arith.constant 8 : i32
      %mul3A_31 = arith.muli %scan3A_10, %mul3A_30 : i32
      %add3A_32 = arith.constant 1 : i32
      %add3A_33 = arith.addi %mul3A_31, %add3A_32 : i32
      %mul3A_34 = arith.constant 16 : i32
      %mul3A_35 = arith.muli %add3A_33, %mul3A_34 : i32
      %get3A_36 = arith.index_cast %mul3A_35 : i32 to index
      %get3A_37 = tpu.vector_load %arg5[%get3A_36] {strides = array<i32>} : memref<8192xi32, #tpu.memory_space<vmem>>, vector<16xi32>,
      %shift_right_arithmetic3A_38 = arith.constant 16 : i32
      %shift_right_arithmetic3A_39 = vector.broadcast %shift_right_arithmetic3A_38 : i32 to vector<16xi32>
      %shift_right_arithmetic3A_40 = arith.shrsi %get3A_37, %shift_right_arithmetic3A_39 : vector<16xi32>
      %and3A_41 = arith.constant 65535 : i32
      %and3A_42 = vector.broadcast %and3A_41 : i32 to vector<16xi32>
      %and3A_43 = arith.andi %get3A_37, %and3A_42 : vector<16xi32>
      %convert_element_type3A_44 = arith.sitofp %and3A_43 : vector<16xi32> to vector<16xf32>
      %mul3A_45 = arith.constant 1.52590219E-5 : f32
      %mul3A_46 = vector.broadcast %mul3A_45 : f32 to vector<16xf32>
      %mul3A_47 = arith.mulf %convert_element_type3A_44, %mul3A_46 : vector<16xf32>
      %sub3A_48 = arith.constant 1.000000e+00 : f32
      %sub3A_49 = vector.broadcast %sub3A_48 : f32 to vector<16xf32>
      %sub3A_50 = arith.subf %sub3A_49, %mul3A_47 : vector<16xf32>
      tpu.vector_store_idx %arg6[%shift_right_arithmetic3A_40], %sub3A_50 {add = true} : memref<16384xf32, #tpu.memory_space<vmem>>[vector<16xi32>], vector<16xf32>,
      %add3A_51 = arith.constant 257 : i32
      %add3A_52 = vector.broadcast %add3A_51 : i32 to vector<16xi32>
      %add3A_53 = arith.addi %shift_right_arithmetic3A_40, %add3A_52 : vector<16xi32>
      tpu.vector_store_idx %arg6[%add3A_53], %mul3A_47 {add = true} : memref<16384xf32, #tpu.memory_space<vmem>>[vector<16xi32>], vector<16xf32>,
      %mul3A_54 = arith.constant 8 : i32
      %mul3A_55 = arith.muli %scan3A_10, %mul3A_54 : i32
      %add3A_56 = arith.constant 2 : i32
      %add3A_57 = arith.addi %mul3A_55, %add3A_56 : i32
      %mul3A_58 = arith.constant 16 : i32
      %mul3A_59 = arith.muli %add3A_57, %mul3A_58 : i32
      %get3A_60 = arith.index_cast %mul3A_59 : i32 to index
      %get3A_61 = tpu.vector_load %arg5[%get3A_60] {strides = array<i32>} : memref<8192xi32, #tpu.memory_space<vmem>>, vector<16xi32>,
      %shift_right_arithmetic3A_62 = arith.constant 16 : i32
      %shift_right_arithmetic3A_63 = vector.broadcast %shift_right_arithmetic3A_62 : i32 to vector<16xi32>
      %shift_right_arithmetic3A_64 = arith.shrsi %get3A_61, %shift_right_arithmetic3A_63 : vector<16xi32>
      %and3A_65 = arith.constant 65535 : i32
      %and3A_66 = vector.broadcast %and3A_65 : i32 to vector<16xi32>
      %and3A_67 = arith.andi %get3A_61, %and3A_66 : vector<16xi32>
      %convert_element_type3A_68 = arith.sitofp %and3A_67 : vector<16xi32> to vector<16xf32>
      %mul3A_69 = arith.constant 1.52590219E-5 : f32
      %mul3A_70 = vector.broadcast %mul3A_69 : f32 to vector<16xf32>
      %mul3A_71 = arith.mulf %convert_element_type3A_68, %mul3A_70 : vector<16xf32>
      %sub3A_72 = arith.constant 1.000000e+00 : f32
      %sub3A_73 = vector.broadcast %sub3A_72 : f32 to vector<16xf32>
      %sub3A_74 = arith.subf %sub3A_73, %mul3A_71 : vector<16xf32>
      tpu.vector_store_idx %arg6[%shift_right_arithmetic3A_64], %sub3A_74 {add = true} : memref<16384xf32, #tpu.memory_space<vmem>>[vector<16xi32>], vector<16xf32>,
      %add3A_75 = arith.constant 257 : i32
      %add3A_76 = vector.broadcast %add3A_75 : i32 to vector<16xi32>
      %add3A_77 = arith.addi %shift_right_arithmetic3A_64, %add3A_76 : vector<16xi32>
      tpu.vector_store_idx %arg6[%add3A_77], %mul3A_71 {add = true} : memref<16384xf32, #tpu.memory_space<vmem>>[vector<16xi32>], vector<16xf32>,
      %mul3A_78 = arith.constant 8 : i32
      %mul3A_79 = arith.muli %scan3A_10, %mul3A_78 : i32
      %add3A_80 = arith.constant 3 : i32
      %add3A_81 = arith.addi %mul3A_79, %add3A_80 : i32
      %mul3A_82 = arith.constant 16 : i32
      %mul3A_83 = arith.muli %add3A_81, %mul3A_82 : i32
      %get3A_84 = arith.index_cast %mul3A_83 : i32 to index
      %get3A_85 = tpu.vector_load %arg5[%get3A_84] {strides = array<i32>} : memref<8192xi32, #tpu.memory_space<vmem>>, vector<16xi32>,
      %shift_right_arithmetic3A_86 = arith.constant 16 : i32
      %shift_right_arithmetic3A_87 = vector.broadcast %shift_right_arithmetic3A_86 : i32 to vector<16xi32>
      %shift_right_arithmetic3A_88 = arith.shrsi %get3A_85, %shift_right_arithmetic3A_87 : vector<16xi32>
      %and3A_89 = arith.constant 65535 : i32
      %and3A_90 = vector.broadcast %and3A_89 : i32 to vector<16xi32>
      %and3A_91 = arith.andi %get3A_85, %and3A_90 : vector<16xi32>
      %convert_element_type3A_92 = arith.sitofp %and3A_91 : vector<16xi32> to vector<16xf32>
      %mul3A_93 = arith.constant 1.52590219E-5 : f32
      %mul3A_94 = vector.broadcast %mul3A_93 : f32 to vector<16xf32>
      %mul3A_95 = arith.mulf %convert_element_type3A_92, %mul3A_94 : vector<16xf32>
      %sub3A_96 = arith.constant 1.000000e+00 : f32
      %sub3A_97 = vector.broadcast %sub3A_96 : f32 to vector<16xf32>
      %sub3A_98 = arith.subf %sub3A_97, %mul3A_95 : vector<16xf32>
      tpu.vector_store_idx %arg6[%shift_right_arithmetic3A_88], %sub3A_98 {add = true} : memref<16384xf32, #tpu.memory_space<vmem>>[vector<16xi32>], vector<16xf32>,
      %add3A_99 = arith.constant 257 : i32
      %add3A_100 = vector.broadcast %add3A_99 : i32 to vector<16xi32>
      %add3A_101 = arith.addi %shift_right_arithmetic3A_88, %add3A_100 : vector<16xi32>
      tpu.vector_store_idx %arg6[%add3A_101], %mul3A_95 {add = true} : memref<16384xf32, #tpu.memory_space<vmem>>[vector<16xi32>], vector<16xf32>,
      %mul3A_102 = arith.constant 8 : i32
      %mul3A_103 = arith.muli %scan3A_10, %mul3A_102 : i32
      %add3A_104 = arith.constant 4 : i32
      %add3A_105 = arith.addi %mul3A_103, %add3A_104 : i32
      %mul3A_106 = arith.constant 16 : i32
      %mul3A_107 = arith.muli %add3A_105, %mul3A_106 : i32
      %get3A_108 = arith.index_cast %mul3A_107 : i32 to index
      %get3A_109 = tpu.vector_load %arg5[%get3A_108] {strides = array<i32>} : memref<8192xi32, #tpu.memory_space<vmem>>, vector<16xi32>,
      %shift_right_arithmetic3A_110 = arith.constant 16 : i32
      %shift_right_arithmetic3A_111 = vector.broadcast %shift_right_arithmetic3A_110 : i32 to vector<16xi32>
      %shift_right_arithmetic3A_112 = arith.shrsi %get3A_109, %shift_right_arithmetic3A_111 : vector<16xi32>
      %and3A_113 = arith.constant 65535 : i32
      %and3A_114 = vector.broadcast %and3A_113 : i32 to vector<16xi32>
      %and3A_115 = arith.andi %get3A_109, %and3A_114 : vector<16xi32>
      %convert_element_type3A_116 = arith.sitofp %and3A_115 : vector<16xi32> to vector<16xf32>
      %mul3A_117 = arith.constant 1.52590219E-5 : f32
      %mul3A_118 = vector.broadcast %mul3A_117 : f32 to vector<16xf32>
      %mul3A_119 = arith.mulf %convert_element_type3A_116, %mul3A_118 : vector<16xf32>
      %sub3A_120 = arith.constant 1.000000e+00 : f32
      %sub3A_121 = vector.broadcast %sub3A_120 : f32 to vector<16xf32>
      %sub3A_122 = arith.subf %sub3A_121, %mul3A_119 : vector<16xf32>
      tpu.vector_store_idx %arg6[%shift_right_arithmetic3A_112], %sub3A_122 {add = true} : memref<16384xf32, #tpu.memory_space<vmem>>[vector<16xi32>], vector<16xf32>,
      %add3A_123 = arith.constant 257 : i32
      %add3A_124 = vector.broadcast %add3A_123 : i32 to vector<16xi32>
      %add3A_125 = arith.addi %shift_right_arithmetic3A_112, %add3A_124 : vector<16xi32>
      tpu.vector_store_idx %arg6[%add3A_125], %mul3A_119 {add = true} : memref<16384xf32, #tpu.memory_space<vmem>>[vector<16xi32>], vector<16xf32>,
      %mul3A_126 = arith.constant 8 : i32
      %mul3A_127 = arith.muli %scan3A_10, %mul3A_126 : i32
      %add3A_128 = arith.constant 5 : i32
      %add3A_129 = arith.addi %mul3A_127, %add3A_128 : i32
      %mul3A_130 = arith.constant 16 : i32
      %mul3A_131 = arith.muli %add3A_129, %mul3A_130 : i32
      %get3A_132 = arith.index_cast %mul3A_131 : i32 to index
      %get3A_133 = tpu.vector_load %arg5[%get3A_132] {strides = array<i32>} : memref<8192xi32, #tpu.memory_space<vmem>>, vector<16xi32>,
      %shift_right_arithmetic3A_134 = arith.constant 16 : i32
      %shift_right_arithmetic3A_135 = vector.broadcast %shift_right_arithmetic3A_134 : i32 to vector<16xi32>
      %shift_right_arithmetic3A_136 = arith.shrsi %get3A_133, %shift_right_arithmetic3A_135 : vector<16xi32>
      %and3A_137 = arith.constant 65535 : i32
      %and3A_138 = vector.broadcast %and3A_137 : i32 to vector<16xi32>
      %and3A_139 = arith.andi %get3A_133, %and3A_138 : vector<16xi32>
      %convert_element_type3A_140 = arith.sitofp %and3A_139 : vector<16xi32> to vector<16xf32>
      %mul3A_141 = arith.constant 1.52590219E-5 : f32
      %mul3A_142 = vector.broadcast %mul3A_141 : f32 to vector<16xf32>
      %mul3A_143 = arith.mulf %convert_element_type3A_140, %mul3A_142 : vector<16xf32>
      %sub3A_144 = arith.constant 1.000000e+00 : f32
      %sub3A_145 = vector.broadcast %sub3A_144 : f32 to vector<16xf32>
      %sub3A_146 = arith.subf %sub3A_145, %mul3A_143 : vector<16xf32>
      tpu.vector_store_idx %arg6[%shift_right_arithmetic3A_136], %sub3A_146 {add = true} : memref<16384xf32, #tpu.memory_space<vmem>>[vector<16xi32>], vector<16xf32>,
      %add3A_147 = arith.constant 257 : i32
      %add3A_148 = vector.broadcast %add3A_147 : i32 to vector<16xi32>
      %add3A_149 = arith.addi %shift_right_arithmetic3A_136, %add3A_148 : vector<16xi32>
      tpu.vector_store_idx %arg6[%add3A_149], %mul3A_143 {add = true} : memref<16384xf32, #tpu.memory_space<vmem>>[vector<16xi32>], vector<16xf32>,
      %mul3A_150 = arith.constant 8 : i32
      %mul3A_151 = arith.muli %scan3A_10, %mul3A_150 : i32
      %add3A_152 = arith.constant 6 : i32
      %add3A_153 = arith.addi %mul3A_151, %add3A_152 : i32
      %mul3A_154 = arith.constant 16 : i32
      %mul3A_155 = arith.muli %add3A_153, %mul3A_154 : i32
      %get3A_156 = arith.index_cast %mul3A_155 : i32 to index
      %get3A_157 = tpu.vector_load %arg5[%get3A_156] {strides = array<i32>} : memref<8192xi32, #tpu.memory_space<vmem>>, vector<16xi32>,
      %shift_right_arithmetic3A_158 = arith.constant 16 : i32
      %shift_right_arithmetic3A_159 = vector.broadcast %shift_right_arithmetic3A_158 : i32 to vector<16xi32>
      %shift_right_arithmetic3A_160 = arith.shrsi %get3A_157, %shift_right_arithmetic3A_159 : vector<16xi32>
      %and3A_161 = arith.constant 65535 : i32
      %and3A_162 = vector.broadcast %and3A_161 : i32 to vector<16xi32>
      %and3A_163 = arith.andi %get3A_157, %and3A_162 : vector<16xi32>
      %convert_element_type3A_164 = arith.sitofp %and3A_163 : vector<16xi32> to vector<16xf32>
      %mul3A_165 = arith.constant 1.52590219E-5 : f32
      %mul3A_166 = vector.broadcast %mul3A_165 : f32 to vector<16xf32>
      %mul3A_167 = arith.mulf %convert_element_type3A_164, %mul3A_166 : vector<16xf32>
      %sub3A_168 = arith.constant 1.000000e+00 : f32
      %sub3A_169 = vector.broadcast %sub3A_168 : f32 to vector<16xf32>
      %sub3A_170 = arith.subf %sub3A_169, %mul3A_167 : vector<16xf32>
      tpu.vector_store_idx %arg6[%shift_right_arithmetic3A_160], %sub3A_170 {add = true} : memref<16384xf32, #tpu.memory_space<vmem>>[vector<16xi32>], vector<16xf32>,
      %add3A_171 = arith.constant 257 : i32
      %add3A_172 = vector.broadcast %add3A_171 : i32 to vector<16xi32>
      %add3A_173 = arith.addi %shift_right_arithmetic3A_160, %add3A_172 : vector<16xi32>
      tpu.vector_store_idx %arg6[%add3A_173], %mul3A_167 {add = true} : memref<16384xf32, #tpu.memory_space<vmem>>[vector<16xi32>], vector<16xf32>,
      %mul3A_174 = arith.constant 8 : i32
      %mul3A_175 = arith.muli %scan3A_10, %mul3A_174 : i32
      %add3A_176 = arith.constant 7 : i32
      %add3A_177 = arith.addi %mul3A_175, %add3A_176 : i32
      %mul3A_178 = arith.constant 16 : i32
      %mul3A_179 = arith.muli %add3A_177, %mul3A_178 : i32
      %get3A_180 = arith.index_cast %mul3A_179 : i32 to index
      %get3A_181 = tpu.vector_load %arg5[%get3A_180] {strides = array<i32>} : memref<8192xi32, #tpu.memory_space<vmem>>, vector<16xi32>,
      %shift_right_arithmetic3A_182 = arith.constant 16 : i32
      %shift_right_arithmetic3A_183 = vector.broadcast %shift_right_arithmetic3A_182 : i32 to vector<16xi32>
      %shift_right_arithmetic3A_184 = arith.shrsi %get3A_181, %shift_right_arithmetic3A_183 : vector<16xi32>
      %and3A_185 = arith.constant 65535 : i32
      %and3A_186 = vector.broadcast %and3A_185 : i32 to vector<16xi32>
      %and3A_187 = arith.andi %get3A_181, %and3A_186 : vector<16xi32>
      %convert_element_type3A_188 = arith.sitofp %and3A_187 : vector<16xi32> to vector<16xf32>
      %mul3A_189 = arith.constant 1.52590219E-5 : f32
      %mul3A_190 = vector.broadcast %mul3A_189 : f32 to vector<16xf32>
      %mul3A_191 = arith.mulf %convert_element_type3A_188, %mul3A_190 : vector<16xf32>
      %sub3A_192 = arith.constant 1.000000e+00 : f32
      %sub3A_193 = vector.broadcast %sub3A_192 : f32 to vector<16xf32>
      %sub3A_194 = arith.subf %sub3A_193, %mul3A_191 : vector<16xf32>
      tpu.vector_store_idx %arg6[%shift_right_arithmetic3A_184], %sub3A_194 {add = true} : memref<16384xf32, #tpu.memory_space<vmem>>[vector<16xi32>], vector<16xf32>,
      %add3A_195 = arith.constant 257 : i32
      %add3A_196 = vector.broadcast %add3A_195 : i32 to vector<16xi32>
      %add3A_197 = arith.addi %shift_right_arithmetic3A_184, %add3A_196 : vector<16xi32>
      tpu.vector_store_idx %arg6[%add3A_197], %mul3A_191 {add = true} : memref<16384xf32, #tpu.memory_space<vmem>>[vector<16xi32>], vector<16xf32>,
    }
    %scan3A_9 = arith.constant 64 : i32
    "tpu.region"() ({
      %run_scoped3A = tpu.sem_alloc : memref<!tpu.dma_semaphore, #tpu.memory_space<semaphore_mem>>
      %dma_start3A_10 = arith.constant 0 : i32
      %dma_start3A_11 = tpu.memref_slice %arg4[%add3A, %dma_start3A_10] : memref<32x16384xf32, #tpu.memory_space<hbm>> -> memref<1x16384xf32, #tpu.memory_space<hbm>>
      %dma_start3A_12 = tpu.memref_squeeze %dma_start3A_11 : memref<1x16384xf32, #tpu.memory_space<hbm>> -> memref<16384xf32, #tpu.memory_space<hbm>>
      %dma_start3A_13 = arith.constant 0 : i32
      %dma_start3A_14 = tpu.memref_slice %arg4[%add3A, %dma_start3A_13] : memref<32x16384xf32, #tpu.memory_space<hbm>> -> memref<1x16384xf32, #tpu.memory_space<hbm>>
      %dma_start3A_15 = tpu.memref_squeeze %dma_start3A_14 : memref<1x16384xf32, #tpu.memory_space<hbm>> -> memref<16384xf32, #tpu.memory_space<hbm>>
      tpu.enqueue_dma source(%arg6 : memref<16384xf32, #tpu.memory_space<vmem>>) target(%dma_start3A_15 : memref<16384xf32, #tpu.memory_space<hbm>>) target_semaphore(%run_scoped3A : memref<!tpu.dma_semaphore, #tpu.memory_space<semaphore_mem>>)
      %dma_wait3A_16 = arith.constant 0 : i32
      %dma_wait3A_17 = tpu.memref_slice %arg4[%add3A, %dma_wait3A_16] : memref<32x16384xf32, #tpu.memory_space<hbm>> -> memref<1x16384xf32, #tpu.memory_space<hbm>>
      %dma_wait3A_18 = tpu.memref_squeeze %dma_wait3A_17 : memref<1x16384xf32, #tpu.memory_space<hbm>> -> memref<16384xf32, #tpu.memory_space<hbm>>
      %dma_wait3A_19 = arith.constant 0 : i32
      %dma_wait3A_20 = tpu.memref_slice %arg4[%add3A, %dma_wait3A_19] : memref<32x16384xf32, #tpu.memory_space<hbm>> -> memref<1x16384xf32, #tpu.memory_space<hbm>>
      %dma_wait3A_21 = tpu.memref_squeeze %dma_wait3A_20 : memref<1x16384xf32, #tpu.memory_space<hbm>> -> memref<16384xf32, #tpu.memory_space<hbm>>
      tpu.wait_dma2 semaphore(%run_scoped3A : memref<!tpu.dma_semaphore, #tpu.memory_space<semaphore_mem>>) src(%arg6 : memref<16384xf32, #tpu.memory_space<vmem>>) dst(%dma_wait3A_21 : memref<16384xf32, #tpu.memory_space<hbm>>)
      tpu.yield
    }) : () -> ()
    return
  }
}

module attributes {stable_mosaic.version = 14 : i64} {
  func.func @_prep_kernel(%arg0: memref<512x256xf32, #tpu.memory_space<vmem>>, %arg1: memref<512x1xi32, #tpu.memory_space<vmem>>, %arg2: memref<1x512xi32, #tpu.memory_space<vmem>>, %arg3: memref<512x512xi32, #tpu.memory_space<vmem>>, %arg4: memref<1x1xf32, #tpu.memory_space<vmem>>) attributes {dimension_semantics = [], scalar_prefetch = 0 : i64, scratch_operands = 0 : i64, tpu.core_type = #tpu.core_type<tc>} {
    %get3A = arith.constant 0 : index
    %get3A_0 = arith.constant 0 : index
    %get3A_1 = vector.load %arg0[%get3A, %get3A_0] : memref<512x256xf32, #tpu.memory_space<vmem>>, vector<512x256xf32>
    %dot_general3A = arith.constant dense<0.000000e+00> : vector<512x512xf32>
    %dot_general3A_2 = tpu.matmul %get3A_1, %get3A_1, %dot_general3A {dimension_numbers = #tpu.dot_dimension_numbers<[1], [1], [0], [0], [0, 0, 1, 0], [], []>, transpose_lhs_hint = false} : vector<512x256xf32>, vector<512x256xf32>, vector<512x512xf32> -> vector<512x512xf32>
    %add3A = arith.constant 1.000000e+00 : f32
    %add3A_3 = vector.broadcast %add3A : f32 to vector<512x512xf32>
    %add3A_4 = arith.addf %dot_general3A_2, %add3A_3 : vector<512x512xf32>
    %div3A = arith.constant 0.0134228189 : f32
    %div3A_5 = vector.broadcast %div3A : f32 to vector<512x512xf32>
    %div3A_6 = arith.divf %add3A_4, %div3A_5 : vector<512x512xf32>
    %floor3A = math.floor %div3A_6 : vector<512x512xf32>
    %sub3A = arith.subf %div3A_6, %floor3A : vector<512x512xf32>
    %mul3A = arith.constant 6.553500e+04 : f32
    %mul3A_7 = vector.broadcast %mul3A : f32 to vector<512x512xf32>
    %mul3A_8 = arith.mulf %sub3A, %mul3A_7 : vector<512x512xf32>
    %add3A_9 = arith.constant 5.000000e-01 : f32
    %add3A_10 = vector.broadcast %add3A_9 : f32 to vector<512x512xf32>
    %add3A_11 = arith.addf %mul3A_8, %add3A_10 : vector<512x512xf32>
    %convert_element_type3A = arith.fptosi %add3A_11 : vector<512x512xf32> to vector<512x512xi32>
    %convert_element_type3A_12 = arith.fptosi %floor3A : vector<512x512xf32> to vector<512x512xi32>
    %iota3A = tpu.iota {dimensions = array<i32: 0>} : vector<512x512xi32>
    %iota3A_13 = tpu.iota {dimensions = array<i32: 1>} : vector<512x512xi32>
    %gt3A = arith.cmpi sgt, %iota3A_13, %iota3A : vector<512x512xi32>
    %get3A_14 = arith.constant 0 : index
    %get3A_15 = arith.constant 0 : index
    %get3A_16 = vector.load %arg1[%get3A_14, %get3A_15] : memref<512x1xi32, #tpu.memory_space<vmem>>, vector<512x1xi32>
    %get3A_17 = arith.constant 0 : index
    %get3A_18 = arith.constant 0 : index
    %get3A_19 = vector.load %arg2[%get3A_17, %get3A_18] : memref<1x512xi32, #tpu.memory_space<vmem>>, vector<1x512xi32>
    %eq3A = vector.broadcast %get3A_16 : vector<512x1xi32> to vector<512x512xi32>
    %eq3A_20 = vector.broadcast %get3A_19 : vector<1x512xi32> to vector<512x512xi32>
    %eq3A_21 = arith.cmpi eq, %eq3A, %eq3A_20 : vector<512x512xi32>
    %jit3A = arith.constant 520 : i32
    %jit3A_22 = arith.constant 8 : i32
    %broadcast_in_dim3A = vector.broadcast %jit3A : i32 to vector<512x512xi32>
    %broadcast_in_dim3A_23 = vector.broadcast %jit3A_22 : i32 to vector<512x512xi32>
    %select_n3A = arith.select %eq3A_21, %broadcast_in_dim3A, %broadcast_in_dim3A_23 : vector<512x512xi1>, vector<512x512xi32>
    %add3A_24 = arith.addi %select_n3A, %convert_element_type3A_12 : vector<512x512xi32>
    %jit3A_25 = arith.constant 208 : i32
    %broadcast_in_dim3A_26 = vector.broadcast %jit3A_25 : i32 to vector<512x512xi32>
    %select_n3A_27 = arith.select %gt3A, %add3A_24, %broadcast_in_dim3A_26 : vector<512x512xi1>, vector<512x512xi32>
    %and3A = arith.constant 15 : i32
    %and3A_28 = vector.broadcast %and3A : i32 to vector<512x512xi32>
    %and3A_29 = arith.andi %iota3A_13, %and3A_28 : vector<512x512xi32>
    %mul3A_30 = arith.constant 1024 : i32
    %mul3A_31 = vector.broadcast %mul3A_30 : i32 to vector<512x512xi32>
    %mul3A_32 = arith.muli %and3A_29, %mul3A_31 : vector<512x512xi32>
    %add3A_33 = arith.addi %mul3A_32, %select_n3A_27 : vector<512x512xi32>
    %shift_left3A = arith.constant 16 : i32
    %shift_left3A_34 = vector.broadcast %shift_left3A : i32 to vector<512x512xi32>
    %shift_left3A_35 = arith.shli %add3A_33, %shift_left3A_34 : vector<512x512xi32>
    %or3A = arith.ori %shift_left3A_35, %convert_element_type3A : vector<512x512xi32>
    %swap3A = arith.constant 0 : index
    %swap3A_36 = arith.constant 0 : index
    %swap3A_37 = vector.load %arg3[%swap3A, %swap3A_36] : memref<512x512xi32, #tpu.memory_space<vmem>>, vector<512x512xi32>
    tpu.vector_store %arg3[%swap3A, %swap3A_36], %or3A {strides = array<i32>} : memref<512x512xi32, #tpu.memory_space<vmem>>, vector<512x512xi32>,
    %and3A_38 = arith.andi %gt3A, %eq3A_21 : vector<512x512xi1>
    %jit3A_39 = arith.constant 1.000000e+00 : f32
    %jit3A_40 = arith.constant 0.000000e+00 : f32
    %broadcast_in_dim3A_41 = vector.broadcast %jit3A_39 : f32 to vector<512x512xf32>
    %broadcast_in_dim3A_42 = vector.broadcast %jit3A_40 : f32 to vector<512x512xf32>
    %select_n3A_43 = arith.select %and3A_38, %broadcast_in_dim3A_41, %broadcast_in_dim3A_42 : vector<512x512xi1>, vector<512x512xf32>
    %reduce_sum3A = vector.shape_cast %select_n3A_43 : vector<512x512xf32> to vector<1x512x512xf32>
    %reduce_sum3A_44 = arith.constant dense<0.000000e+00> : vector<1xf32>
    %reduce_sum3A_45 = vector.multi_reduction <add>, %reduce_sum3A, %reduce_sum3A_44 [1, 2] : vector<1x512x512xf32> to vector<1xf32>
    %reduce_sum3A_46 = vector.shape_cast %reduce_sum3A_45 : vector<1xf32> to vector<1x1x1xf32>
    %reduce_sum3A_47 = vector.extract %reduce_sum3A_46[0, 0, 0] : f32 from vector<1x1x1xf32>
    %broadcast_in_dim3A_48 = vector.broadcast %reduce_sum3A_47 : f32 to vector<1x1xf32>
    %swap3A_49 = arith.constant 0 : index
    %swap3A_50 = arith.constant 0 : index
    %swap3A_51 = vector.load %arg4[%swap3A_49, %swap3A_50] : memref<1x1xf32, #tpu.memory_space<vmem>>, vector<1x1xf32>
    tpu.vector_store %arg4[%swap3A_49, %swap3A_50], %broadcast_in_dim3A_48 {strides = array<i32>} : memref<1x1xf32, #tpu.memory_space<vmem>>, vector<1x1xf32>,
    return
  }
}

module attributes {stable_mosaic.version = 14 : i64} {
  func.func @_finish_kernel(%arg0: memref<512x1024xf32, #tpu.memory_space<vmem>>, %arg1: memref<1x160xf32, #tpu.memory_space<vmem>>, %arg2: memref<1x1xf32, #tpu.memory_space<vmem>>, %arg3: memref<1x1xf32, #tpu.memory_space<vmem>>) attributes {dimension_semantics = [], scalar_prefetch = 0 : i64, scratch_operands = 0 : i64, tpu.core_type = #tpu.core_type<tc>} {
    %get3A = arith.constant 0 : index
    %get3A_0 = arith.constant 0 : index
    %get3A_1 = vector.load %arg0[%get3A, %get3A_0] : memref<512x1024xf32, #tpu.memory_space<vmem>>, vector<512x1024xf32>
    %reduce_sum3A = arith.constant dense<0.000000e+00> : vector<1024xf32>
    %reduce_sum3A_2 = vector.multi_reduction <add>, %get3A_1, %reduce_sum3A [0] : vector<512x1024xf32> to vector<1024xf32>
    %broadcast_in_dim3A = vector.shape_cast %reduce_sum3A_2 : vector<1024xf32> to vector<1x1024xf32>
    %get3A_3 = arith.constant 0 : index
    %get3A_4 = arith.constant 0 : index
    %get3A_5 = vector.load %arg1[%get3A_3, %get3A_4] : memref<1x160xf32, #tpu.memory_space<vmem>>, vector<1x160xf32>
    %slice3A = vector.extract_strided_slice %get3A_5 {offsets = [0, 0], sizes = [1, 152], strides = [1, 1]} : vector<1x160xf32> to vector<1x152xf32>
    %slice3A_6 = vector.extract_strided_slice %broadcast_in_dim3A {offsets = [0, 8], sizes = [1, 152], strides = [1, 1]} : vector<1x1024xf32> to vector<1x152xf32>
    %slice3A_7 = vector.extract_strided_slice %broadcast_in_dim3A {offsets = [0, 264], sizes = [1, 152], strides = [1, 1]} : vector<1x1024xf32> to vector<1x152xf32>
    %slice3A_8 = vector.extract_strided_slice %broadcast_in_dim3A {offsets = [0, 520], sizes = [1, 152], strides = [1, 1]} : vector<1x1024xf32> to vector<1x152xf32>
    %slice3A_9 = vector.extract_strided_slice %broadcast_in_dim3A {offsets = [0, 776], sizes = [1, 152], strides = [1, 1]} : vector<1x1024xf32> to vector<1x152xf32>
    %mul3A = arith.mulf %slice3A_7, %slice3A : vector<1x152xf32>
    %add3A = arith.addf %slice3A_6, %mul3A : vector<1x152xf32>
    %mul3A_10 = arith.mulf %slice3A_9, %slice3A : vector<1x152xf32>
    %add3A_11 = arith.addf %slice3A_8, %mul3A_10 : vector<1x152xf32>
    %iota3A = tpu.iota {dimensions = array<i32: 0>} : vector<152x152xi32>
    %iota3A_12 = tpu.iota {dimensions = array<i32: 1>} : vector<152x152xi32>
    %le3A = arith.cmpi sle, %iota3A, %iota3A_12 : vector<152x152xi32>
    %convert_element_type3A = arith.extui %le3A : vector<152x152xi1> to vector<152x152xi32>
    %convert_element_type3A_13 = arith.sitofp %convert_element_type3A : vector<152x152xi32> to vector<152x152xf32>
    %dot_general3A = arith.constant dense<0.000000e+00> : vector<1x152xf32>
    %dot_general3A_14 = tpu.matmul %add3A_11, %convert_element_type3A_13, %dot_general3A {dimension_numbers = #tpu.dot_dimension_numbers<[1], [0], [0], [1], [0, 0, 1, 1], [], []>, precision = #tpu.contract_precision<fp32>, transpose_lhs_hint = false} : vector<1x152xf32>, vector<152x152xf32>, vector<1x152xf32> -> vector<1x152xf32>
    %get3A_15 = arith.constant 0 : index
    %get3A_16 = arith.constant 0 : index
    %get3A_17 = vector.load %arg2[%get3A_15, %get3A_16] : memref<1x1xf32, #tpu.memory_space<vmem>>, vector<1x1xf32>
    %get3A_18 = vector.extract %get3A_17[0, 0] : f32 from vector<1x1xf32>
    %sub3A = arith.constant 1.308160e+05 : f32
    %sub3A_19 = arith.subf %sub3A, %get3A_18 : f32
    %mul3A_20 = arith.mulf %dot_general3A_14, %add3A : vector<1x152xf32>
    %reduce_sum3A_21 = arith.constant dense<0.000000e+00> : vector<1xf32>
    %reduce_sum3A_22 = vector.multi_reduction <add>, %mul3A_20, %reduce_sum3A_21 [1] : vector<1x152xf32> to vector<1xf32>
    %broadcast_in_dim3A_23 = vector.shape_cast %reduce_sum3A_22 : vector<1xf32> to vector<1x1xf32>
    %mul3A_24 = arith.mulf %get3A_18, %sub3A_19 : f32
    %div3A = vector.broadcast %mul3A_24 : f32 to vector<1x1xf32>
    %div3A_25 = arith.divf %broadcast_in_dim3A_23, %div3A : vector<1x1xf32>
    %swap3A = arith.constant 0 : index
    %swap3A_26 = arith.constant 0 : index
    %swap3A_27 = vector.load %arg3[%swap3A, %swap3A_26] : memref<1x1xf32, #tpu.memory_space<vmem>>, vector<1x1xf32>
    tpu.vector_store %arg3[%swap3A, %swap3A_26], %div3A_25 {strides = array<i32>} : memref<1x1xf32, #tpu.memory_space<vmem>>, vector<1x1xf32>,
    return
  }
}

</mosaic_0001>

<sc_bundles>
// kernel: kernel.5.cloned.1.call-start
scs
__scs_entry_jumppad:
0x0: {  	(pc) =	sbr.rel $0x88, $3  }
0x1: {  	(tag) =	ssettag $0x0;
	lr =	simm.s32 $0x1  }
0x2: {  	[smem:$0x3F9F] =	sst lr;
	_ =	strace $0xD0000000  }
0x3: {  	_ = 	snop  }
0x4: {  	_ = 	snop  }
0x5: {  	_ = 	snop  }
0x6: {  	_ = 	snop  }
0x7: {  	_ = 	snop  }
__scs_overlays_trampoline_lowered:
0x8: {  	[smem:$0x3FAE] =	sst s0  }
0x9: {  	[smem:$0x3FAF] =	sst s1  }
0xa: {  	[smem:$0x3FB0] =	sst s2  }
0xb: {  	[smem:$0x3FB1] =	sst s3  }
0xc: {  	[smem:$0x3FB2] =	sst s4  }
0xd: {  	[smem:$0x3FB3] =	sst s5  }
0xe: {  	[smem:$0x3FB4] =	sst s6  }
0xf: {  	[smem:$0x3FB5] =	sst s7  }
0x10: {  	[smem:$0x3FB6] =	sst s8  }
0x11: {  	[smem:$0x3FB7] =	sst s9;
	s0 =	simm.s32 @!p0 $0x0  }
0x12: {  	s1 =	sld [smem:$0x3F9D];
	s0 =	simm.s32 @p0 $0x1  }
0x13: {  	[smem:$0x3FB8] =	sst s0;
	s0 =	simm.s32 @!p1 $0x0  }
0x14: {  	s2 =	sld [smem:$0x3F9C];
	s0 =	simm.s32 @p1 $0x1  }
0x15: {  	[smem:$0x3FB9] =	sst s0;
	s0 =	simm.s32 @!p2 $0x0  }
0x16: {  	s3 =	sld [smem:$0x3FDB];
	s0 =	simm.s32 @p2 $0x1  }
0x17: {  	s4 =	simm.s32 $0x1BF5;
	[smem:$0x3FBB] =	sst s0  }
0x18: {  	s0 =	sld [smem:$0x3F9E];
	_ =	swait.ge [sflag:s4], $0x0  }
0x19: {  	s7 =	sld [smem:$0x3F9F]  }
0x1a: {  	s8 =	sadd.s32 $0xFFFFE003, lr  }
0x1b: {  	s9 =	sadd.s32 $0xFFFFFEF7, lr;
	s5 =	simm.s32 $0xFFFFFFFF;
	p2 =	slt.u32 s8, $0xFFFFF086  }
0x1c: {  	p1 =	slt.u32 s9, $0xF7A;
	s5 =	simm.s32 @!p2 $0x0  }
0x1d: {  	s5 =	simm.s32 @p1 $0x1;
	p0 =	seq.s32 s7, s2  }
0x1e: {  	s7 =	smul.u32 @!p0 $0xF7A, s2;
	p2 =	seq.s32 @!p0 s5, $0x0  }
0x1f: {  	s9 =	smul.u32 $0xF7A, s1;
	s8 =	simm.s32 @!p0 $0x1BF5;
	p2 =	por !p2, p0  }
0x20: {  	[sflag:s8] =	ssyncset.s32 @!p0 $0xFFFFF086;
	s6 =	sadd.s32 @!p0 s3, s7;
	s7 =	simm.s32 @!p0 $0x108  }
0x21: {  	s3 =	sadd.s32 s3, s9;
	s6 =	sadd.s32 @!p0 $0x88, s6;
	s7 =	simm.s32 @p2 $0x1082  }
0x22: {  	[simem:s7], [sflag:s8] =	dma.local @!p0 [hbm:s6], $0xF7A  }
0x23: {  	s9 =	sor.u32 $0xD0000000, s2;
	s6 =	simm.s32 $0x108;
	_ =	swait.ge @!p0 [sflag:s8], $0x0  }
0x24: {  	s3 =	sadd.s32 $0x88, s3;
	s6 =	simm.s32 @!p1 $0x1082;
	[sflag:s4] =	ssyncset.s32 $0xFFFFF086  }
0x25: {  	[simem:s6], [sflag:s4] =	dma.local [hbm:s3], $0xF7A  }
0x26: {  	[smem:$0x3F9F] =	sst s1;
	(tag) =	ssettag s2;
	_ =	strace s9  }
0x27: {  	s1 =	sld [smem:$0x3FAF]  }
0x28: {  	s2 =	sld [smem:$0x3FB0]  }
0x29: {  	s4 =	sld [smem:$0x3FB2]  }
0x2a: {  	p0 =	seq.s32 s5, $0x0;
	s5 =	sld [smem:$0x3FB3]  }
0x2b: {  	s6 =	sld [smem:$0x3FB4]  }
0x2c: {  	s7 =	sld [smem:$0x3FB5]  }
0x2d: {  	s3 =	simm.s32 $0x108;
	s8 =	sld [smem:$0x3FB6]  }
0x2e: {  	s3 =	simm.s32 @!p0 $0x1082;
	s9 =	sld [smem:$0x3FB7]  }
0x2f: {  	lr =	sadd.s32 s0, s3;
	s0 =	sld [smem:$0x3FAE]  }
0x30: {  	s3 =	sld [smem:$0x3FB1]  }
0x31: {  	[smem:$0x3FBA] =	sst s10  }
0x32: {  	s10 =	sld [smem:$0x3FB8];
	_ =	sdelay $0x3  }
0x33: {  	p0 =	seq.s32 s10, $0x1;
	s10 =	sld [smem:$0x3FBA];
	_ =	sdelay $0x3  }
0x34: {  	[smem:$0x3FBA] =	sst s10  }
0x35: {  	s10 =	sld [smem:$0x3FB9];
	_ =	sdelay $0x3  }
0x36: {  	p1 =	seq.s32 s10, $0x1;
	s10 =	sld [smem:$0x3FBA];
	_ =	sdelay $0x3  }
0x37: {  	[smem:$0x3FBA] =	sst s10  }
0x38: {  	s10 =	sld [smem:$0x3FBB]  }
0x39: {  	_ = 	snop;
	(pc) =	sbr.ind lr, $3  }
0x3a: {  	_ = 	snop  }
0x3b: {  	_ = 	snop  }
0x3c: {  	p2 =	seq.s32 s10, $0x1;
	s10 =	sld [smem:$0x3FBA]  }
0x3d: {  	_ =	shalt  }
0x3e: {  	_ =	shalt  }
0x3f: {  	_ =	shalt  }
0x40: {  	_ =	shalt  }
0x41: {  	_ =	shalt  }
0x42: {  	_ =	shalt  }
0x43: {  	_ =	shalt  }
0x44: {  	_ =	shalt  }
0x45: {  	_ =	shalt  }
0x46: {  	_ =	shalt  }
0x47: {  	_ =	shalt  }
0x48: {  	_ =	shalt  }
0x49: {  	_ =	shalt  }
0x4a: {  	_ =	shalt  }
0x4b: {  	_ =	shalt  }
0x4c: {  	_ =	shalt  }
0x4d: {  	_ =	shalt  }
0x4e: {  	_ =	shalt  }
0x4f: {  	_ =	shalt  }
0x50: {  	_ =	shalt  }
0x51: {  	_ =	shalt  }
0x52: {  	_ =	shalt  }
0x53: {  	_ =	shalt  }
0x54: {  	_ =	shalt  }
0x55: {  	_ =	shalt  }
0x56: {  	_ =	shalt  }
0x57: {  	_ =	shalt  }
0x58: {  	_ =	shalt  }
0x59: {  	_ =	shalt  }
0x5a: {  	_ =	shalt  }
0x5b: {  	_ =	shalt  }
0x5c: {  	_ =	shalt  }
0x5d: {  	_ =	shalt  }
0x5e: {  	_ =	shalt  }
0x5f: {  	_ =	shalt  }
0x60: {  	_ =	shalt  }
0x61: {  	_ =	shalt  }
0x62: {  	_ =	shalt  }
0x63: {  	_ =	shalt  }
0x64: {  	_ =	shalt  }
0x65: {  	_ =	shalt  }
0x66: {  	_ =	shalt  }
0x67: {  	_ =	shalt  }
0x68: {  	_ =	shalt  }
0x69: {  	_ =	shalt  }
0x6a: {  	_ =	shalt  }
0x6b: {  	_ =	shalt  }
0x6c: {  	_ =	shalt  }
0x6d: {  	_ =	shalt  }
0x6e: {  	_ =	shalt  }
0x6f: {  	_ =	shalt  }
0x70: {  	_ =	shalt  }
0x71: {  	_ =	shalt  }
0x72: {  	_ =	shalt  }
0x73: {  	_ =	shalt  }
0x74: {  	_ =	shalt  }
0x75: {  	_ =	shalt  }
0x76: {  	_ =	shalt  }
0x77: {  	_ =	shalt  }
0x78: {  	_ =	shalt  }
0x79: {  	_ =	shalt  }
0x7a: {  	_ =	shalt  }
0x7b: {  	_ =	shalt  }
0x7c: {  	_ =	shalt  }
0x7d: {  	_ =	shalt  }
0x7e: {  	_ =	shalt  }
0x7f: {  	_ =	shalt  }
0x80: {  	_ =	shalt  }
0x81: {  	_ =	shalt  }
0x82: {  	_ =	shalt  }
0x83: {  	_ =	shalt  }
0x84: {  	_ =	shalt  }
0x85: {  	_ =	shalt  }
0x86: {  	_ =	shalt  }
0x87: {  	_ =	shalt  }
.Lfunc_end0:
.L_simem_size_0:
called_computation_lowered:
.L_overlay_start_0:
0x88: {  	s2 =	sld [smem:$0x3FD9]  }
0x89: {  	s3 =	sld [smem:$0x3FFE];
	_ =	sdelay $0x1  }
0x8a: {  	s1 =	srdreg.scid  }
0x8b: {  	s0 =	sand.u32 $0x1, s1  }
0x8c: {  	s16 =	sshll.u32 s0, $0xA;
	s2 =	sadd.s32 s3, s2  }
0x8d: {  	s2 =	sadd.s32 s2, s16  }
0x8e: {  	[smem:$0x3FC6] =	sst s2  }
0x8f: {  	_ = 	snop  }
0x90: {  	(tm) =	ssettm $0x1  }
0x91: {  	s17 =	sld [smem:$0x3FFB];
	_ =	sdelay $0x3  }
0x92: {  	_ =	strace s17  }
0x93: {  	s2 =	sld [smem:$0x3FFC];
	_ =	sdelay $0x3  }
0x94: {  	_ =	strace s2  }
0x95: {  	s2 =	sld [smem:$0x3FFD];
	_ =	sdelay $0x3  }
0x96: {  	_ =	strace s2  }
0x97: {  	_ =	strace $0x8FFFFFFF  }
0x98: {  	s18 =	sld [smem:$0x3FDB];
	_ =	sdelay $0x1  }
0x99: {  	s19 =	simm.s32 $_scs_section_size  }
0x9a: {  	s4 =	simm.s32 $_size__tile_overlayer_lowered;
	s5 =	simm.s32 $_tile_overlayer_lowered  }
0x9b: {  	s22 =	simm.s32 $0x1BFF;
	s21 =	sshll.u32 s5, $0x1;
	s2 =	sadd.s32 s19, s18  }
0x9c: {  	s6 =	simm.s32 $0x0;
	s20 =	sshll.u32 s4, $0x1;
	s4 =	sadd.s32 s21, s2  }
0x9d: {  	[timem:s6], [sflag:s22] =	dma.local [hbm:s4], s20  }
0x9e: {  	_ =	swait.ge [sflag:s22], s20  }
0x9f: {  	s3 =	ssub.s32 $0x0, s20;
	[sflag:s22] =	ssyncset.done $0x0  }
0xa0: {  	[sflag:s22] =	ssyncadd.s32 s3;
	_ =	sdelay $0x1  }
0xa1: {  	s23 =	simm.s32 $0x1B8B  }
0xa2: {  	_ =	swait.ge [sflag:s23], $0x1  }
0xa3: {  	[sflag:s23] =	ssyncset.done $0x0  }
0xa4: {  	s25 =	simm.s32 $0x1B8E;
	s24 =	sld [smem:$0x3FFE];
	[sflag:s23] =	ssyncadd.s32 $0xFFFFFFFF  }
0xa5: {  	s26 =	simm.s32 $execute0_lowered;
	[smem:$0x3FD2] =	sst s25  }
0xa6: {  	s4 =	sshll.u32 s26, $0x1;
	_ =	strace $0x80000046;
	[dreg:$0x1] =	wrdreg $0xFFFFFFFF  }
0xa7: {  	s28 =	simm.s32 $_size_execute0_lowered;
	s2 =	sadd.s32 s2, s4;
	[dreg:$0x0] =	wrdreg $0x0  }
0xa8: {  	s4 =	sshll.u32 s28, $0x1;
	[dreg:$0x2] =	wrdreg s2  }
0xa9: {  	[dreg:$0x3] =	wrdreg s4  }
0xaa: {  	[dreg:$0x4] =	wrdreg $0xC0  }
0xab: {  	_ =	task [dreg:s6], $0x5FFFF  }
0xac: {  	[dreg:$0x1] =	wrdreg $0xFFFFFFFF  }
0xad: {  	[dreg:$0x0] =	wrdreg $0x60  }
0xae: {  	[dreg:$0x2] =	wrdreg s24  }
0xaf: {  	[dreg:$0x3] =	wrdreg $0x9  }
0xb0: {  	_ =	task.clear_ibuf [dreg:s6], $0x4FFFF;
	_ =	strace $0x90000046  }
0xb1: {  	s29 =	simm.s32 $0x9;
	_ =	strace $0x80000048  }
0xb2: {  	_ =	swait.ge [sflag:s29], $0x1  }
0xb3: {  	[sflag:s29] =	ssyncadd.s32 $0xFFFFFFFF  }
0xb4: {  	_ =	strace $0x90000048  }
0xb5: {  	_ =	sfence  }
0xb6: {  	s30 =	sld [smem:$0x0];
	_ =	sdelay $0x2  }
0xb7: {  	s31 =	sshll.u32 s1, $0xD;
	s1 =	sshrl.u32 s1, $0x2  }
0xb8: {  	s3 =	sand.u32 $0x4000, s31;
	s1 =	sadd.s32 s1, s30  }
0xb9: {  	s0 =	sor.u32 s3, s0;
	s1 =	sshll.u32 s1, $0x11  }
0xba: {  	s0 =	sor.u32 s1, s0  }
0xbb: {  	s0 =	sadd.s32 $0x8F2B, s0  }
0xbc: {  	[sflag:s0] =	ssyncadd.remote.s32 $0x1  }
0xbd: {  	_ =	sfence.sel $0xFFFF  }
0xbe: {  	[dreg:$0x0] =	wrdreg $0xFFFFFFFF;
	(pc) =	sbr.abs _section_cstart, $3  }
0xbf: {  	[dreg:$0x1] =	wrdreg $0xFFFFFFFF  }
0xc0: {  	_ =	task.clear_ibuf [dreg:s6], $0x2FFFF;
	_ =	strace $0x9FFFFFFF  }
0xc1: {  	(tm) =	ssettm $0x7FFFFFFF  }
tec
execute0_lowered:
.L_overlay_start_1:
0x0: {  	(tag) =	ssettag $0x1  }
0x1: {  	s4 =	rddreg [dreg:$0x0]  }
0x2: {  	s0 =	rddreg [dreg:$0x1]  }
0x3: {  	s3 =	srdreg.scid;
	s1 =	stileid.u32;
	s2 =	simm.s32 $0x0  }
0x4: {  	s10 =	simm.s32 $0x80;
	s11 =	simm.s32 $0x400;
	s12 =	simm.s32 $0x3  }
0x5: {  	s13 =	simm.s32 $0x0;
	s5 =	sand.u32 $0x1, s3;
	s29 =	sshll.u32 s1, $0x1  }
0x6: {  	[smem:$0x7FF] =	sst s2;
	s8 =	sshll.u32 s1, $0xC;
	s6 =	sor.u32 s5, s29  }
0x7: {  	_ =	strace $0x80000047;
	s8 =	sand.u32 $0xC000, s8;
	s5 =	ssub.s32 $0x2, s5  }
0x8: {  	s3 =	sshll.u32 s6, $0xA;
	s6 =	sshll.u32 s6, $0x4;
	s8 =	sadd.s32 s8, s4  }
0x9: {  	s30 =	sshrl.u32 s5, $0x1;
	s7 =	sadd.s32 s3, s4;
	s3 =	sadd.s32 $0x8E00, s4  }
0xa: {  	s6 =	sand.u32 $0x70, s6;
	s9 =	ssub.s32 s5, s30;
	s4 =	sadd.s32 $0xE00, s7  }
0xb: {  	s31 =	sadd.s32 s6, s8;
	s6 =	smax.u32 s9, $0x1;
	s7 =	simm.s32 $0x2000  }
0xc: {  	s8 =	simm.s32 $0x1;
	s9 =	simm.s32 $0x2;
	s5 =	sadd.s32 $0x9600, s31  }
.LBB2_1:
0xd: {  	[tilespmem:s2], [sflag:$0x1] =	stream.linear.gather [hbm4b:s4+s2], $0x2000, $0x38;
	[tilespmem:$0x6000] =	vst v63  }
0xe: {  	_ = 	snop  }
0xf: {  	[tilespmem:s7], [sflag:$0x2] =	stream.linear.gather [hbm4b:s3+s2], $0x4000, $0x38;
	[tilespmem:$0x6000] =	vst v63  }
0x10: {  	_ =	swait.ge [sflag:s8], $0x2000  }
0x11: {  	[sflag:s8] =	ssyncset.done $0x0  }
0x12: {  	[sflag:s8] =	ssyncadd.s32 $0xFFFFE000  }
0x13: {  	_ =	swait.ge [sflag:s9], $0x4000  }
0x14: {  	[sflag:s9] =	ssyncset.done $0x0  }
0x15: {  	s14 =	simm.s32 $0x0;
	[sflag:s9] =	ssyncadd.s32 $0xFFFFC000  }
0x16: {  	v0 =	vld [tilespmem:s14+$0x0];
	_ =	sdelay $0x4  }
0x17: {  	v1 =	vand.u32 $0xFFFF, v0  }
0x18: {  	v1 =	vcvt.s32.f32 v1  }
0x19: {  	v0 =	vshra.s32 v0, $0x10  }
0x1a: {  	v2 =	vadd.s32 $0x101, v0;
	v1 =	vmul.f32 $1.525902190e-05, v1;
	_ =	sdelay $0x1  }
0x1b: {  	v3 =	vsub.f32 $1.000000000e+00, v1;
	_ =	sdelay $0x1  }
0x1c: {  	[tilespmem:v0+s7+$0x0] =	vst.idx.add.f32.msk $0xffff, v3  }
0x1d: {  	[tilespmem:v2+s7+$0x0] =	vst.idx.add.f32.msk $0xffff, v1  }
0x1e: {  	v0 =	vld [tilespmem:s14+$0x10];
	_ =	sdelay $0x4  }
0x1f: {  	v1 =	vand.u32 $0xFFFF, v0  }
0x20: {  	v1 =	vcvt.s32.f32 v1  }
0x21: {  	v0 =	vshra.s32 v0, $0x10  }
0x22: {  	v2 =	vadd.s32 $0x101, v0;
	v1 =	vmul.f32 $1.525902190e-05, v1;
	_ =	sdelay $0x1  }
0x23: {  	v3 =	vsub.f32 $1.000000000e+00, v1;
	_ =	sdelay $0x1  }
0x24: {  	[tilespmem:v0+s7+$0x0] =	vst.idx.add.f32.msk $0xffff, v3  }
0x25: {  	[tilespmem:v2+s7+$0x0] =	vst.idx.add.f32.msk $0xffff, v1  }
0x26: {  	v0 =	vld [tilespmem:s14+$0x20];
	_ =	sdelay $0x4  }
0x27: {  	v1 =	vand.u32 $0xFFFF, v0  }
0x28: {  	v1 =	vcvt.s32.f32 v1  }
0x29: {  	v0 =	vshra.s32 v0, $0x10  }
0x2a: {  	v2 =	vadd.s32 $0x101, v0;
	v1 =	vmul.f32 $1.525902190e-05, v1;
	_ =	sdelay $0x1  }
0x2b: {  	v3 =	vsub.f32 $1.000000000e+00, v1;
	_ =	sdelay $0x1  }
0x2c: {  	[tilespmem:v0+s7+$0x0] =	vst.idx.add.f32.msk $0xffff, v3  }
0x2d: {  	[tilespmem:v2+s7+$0x0] =	vst.idx.add.f32.msk $0xffff, v1  }
0x2e: {  	v0 =	vld [tilespmem:s14+$0x30];
	_ =	sdelay $0x4  }
0x2f: {  	v1 =	vand.u32 $0xFFFF, v0  }
0x30: {  	v1 =	vcvt.s32.f32 v1  }
0x31: {  	v0 =	vshra.s32 v0, $0x10  }
0x32: {  	v2 =	vadd.s32 $0x101, v0;
	v1 =	vmul.f32 $1.525902190e-05, v1;
	_ =	sdelay $0x1  }
0x33: {  	v3 =	vsub.f32 $1.000000000e+00, v1;
	_ =	sdelay $0x1  }
0x34: {  	[tilespmem:v0+s7+$0x0] =	vst.idx.add.f32.msk $0xffff, v3  }
0x35: {  	[tilespmem:v2+s7+$0x0] =	vst.idx.add.f32.msk $0xffff, v1  }
0x36: {  	v0 =	vld [tilespmem:s14+$0x40];
	_ =	sdelay $0x4  }
0x37: {  	v1 =	vand.u32 $0xFFFF, v0  }
0x38: {  	v1 =	vcvt.s32.f32 v1  }
0x39: {  	v0 =	vshra.s32 v0, $0x10  }
0x3a: {  	v2 =	vadd.s32 $0x101, v0;
	v1 =	vmul.f32 $1.525902190e-05, v1;
	_ =	sdelay $0x1  }
0x3b: {  	v3 =	vsub.f32 $1.000000000e+00, v1;
	_ =	sdelay $0x1  }
0x3c: {  	[tilespmem:v0+s7+$0x0] =	vst.idx.add.f32.msk $0xffff, v3  }
0x3d: {  	[tilespmem:v2+s7+$0x0] =	vst.idx.add.f32.msk $0xffff, v1  }
0x3e: {  	v0 =	vld [tilespmem:s14+$0x50];
	_ =	sdelay $0x4  }
0x3f: {  	v1 =	vand.u32 $0xFFFF, v0  }
0x40: {  	v1 =	vcvt.s32.f32 v1  }
0x41: {  	v0 =	vshra.s32 v0, $0x10  }
0x42: {  	v2 =	vadd.s32 $0x101, v0;
	v1 =	vmul.f32 $1.525902190e-05, v1;
	_ =	sdelay $0x1  }
0x43: {  	v3 =	vsub.f32 $1.000000000e+00, v1;
	_ =	sdelay $0x1  }
0x44: {  	[tilespmem:v0+s7+$0x0] =	vst.idx.add.f32.msk $0xffff, v3  }
0x45: {  	[tilespmem:v2+s7+$0x0] =	vst.idx.add.f32.msk $0xffff, v1  }
0x46: {  	v0 =	vld [tilespmem:s14+$0x60];
	_ =	sdelay $0x4  }
0x47: {  	v1 =	vand.u32 $0xFFFF, v0  }
0x48: {  	v1 =	vcvt.s32.f32 v1  }
0x49: {  	v0 =	vshra.s32 v0, $0x10  }
0x4a: {  	v2 =	vadd.s32 $0x101, v0;
	v1 =	vmul.f32 $1.525902190e-05, v1;
	_ =	sdelay $0x1  }
0x4b: {  	v3 =	vsub.f32 $1.000000000e+00, v1;
	_ =	sdelay $0x1  }
0x4c: {  	[tilespmem:v0+s7+$0x0] =	vst.idx.add.f32.msk $0xffff, v3  }
0x4d: {  	[tilespmem:v2+s7+$0x0] =	vst.idx.add.f32.msk $0xffff, v1  }
0x4e: {  	v0 =	vld [tilespmem:s14+$0x70];
	_ =	sdelay $0x4  }
0x4f: {  	v1 =	vand.u32 $0xFFFF, v0  }
0x50: {  	v1 =	vcvt.s32.f32 v1  }
0x51: {  	v2 =	vshra.s32 v0, $0x10  }
0x52: {  	v0 =	vmul.f32 $1.525902190e-05, v1  }
0x53: {  	v1 =	vadd.s32 $0x101, v2  }
0x54: {  	v3 =	vsub.f32 $1.000000000e+00, v0;
	_ =	sdelay $0x1  }
0x55: {  	s15 =	simm.s32 $0x400;
	s14 =	simm.s32 $0x200;
	[tilespmem:v2+s7+$0x0] =	vst.idx.add.f32.msk $0xffff, v3  }
.LBB2_2:
0x56: {  	p0 =	sne.s32 s15, $0x7E00  }
0x57: {  	s16 =	sshra.s32 s14, $0x2;
	[tilespmem:v1+s7+$0x0] =	vst.idx.add.f32.msk $0xffff, v0;
	s14 =	smov.u32 s15;
	s15 =	sadd.s32 $0x200, s15  }
0x58: {  	v0 =	vld [tilespmem:s16+$0x0];
	_ =	sdelay $0x4  }
0x59: {  	v1 =	vand.u32 $0xFFFF, v0  }
0x5a: {  	v1 =	vcvt.s32.f32 v1  }
0x5b: {  	v0 =	vshra.s32 v0, $0x10  }
0x5c: {  	v2 =	vadd.s32 $0x101, v0;
	v1 =	vmul.f32 $1.525902190e-05, v1;
	_ =	sdelay $0x1  }
0x5d: {  	v3 =	vsub.f32 $1.000000000e+00, v1;
	_ =	sdelay $0x1  }
0x5e: {  	[tilespmem:v0+s7+$0x0] =	vst.idx.add.f32.msk $0xffff, v3  }
0x5f: {  	[tilespmem:v2+s7+$0x0] =	vst.idx.add.f32.msk $0xffff, v1  }
0x60: {  	v0 =	vld [tilespmem:s16+$0x10];
	_ =	sdelay $0x4  }
0x61: {  	v1 =	vand.u32 $0xFFFF, v0  }
0x62: {  	v1 =	vcvt.s32.f32 v1  }
0x63: {  	v0 =	vshra.s32 v0, $0x10  }
0x64: {  	v2 =	vadd.s32 $0x101, v0;
	v1 =	vmul.f32 $1.525902190e-05, v1;
	_ =	sdelay $0x1  }
0x65: {  	v3 =	vsub.f32 $1.000000000e+00, v1;
	_ =	sdelay $0x1  }
0x66: {  	[tilespmem:v0+s7+$0x0] =	vst.idx.add.f32.msk $0xffff, v3  }
0x67: {  	[tilespmem:v2+s7+$0x0] =	vst.idx.add.f32.msk $0xffff, v1  }
0x68: {  	v0 =	vld [tilespmem:s16+$0x20];
	_ =	sdelay $0x4  }
0x69: {  	v1 =	vand.u32 $0xFFFF, v0  }
0x6a: {  	v1 =	vcvt.s32.f32 v1  }
0x6b: {  	v0 =	vshra.s32 v0, $0x10  }
0x6c: {  	v2 =	vadd.s32 $0x101, v0;
	v1 =	vmul.f32 $1.525902190e-05, v1;
	_ =	sdelay $0x1  }
0x6d: {  	v3 =	vsub.f32 $1.000000000e+00, v1;
	_ =	sdelay $0x1  }
0x6e: {  	[tilespmem:v0+s7+$0x0] =	vst.idx.add.f32.msk $0xffff, v3  }
0x6f: {  	[tilespmem:v2+s7+$0x0] =	vst.idx.add.f32.msk $0xffff, v1  }
0x70: {  	v0 =	vld [tilespmem:s16+$0x30];
	_ =	sdelay $0x4  }
0x71: {  	v1 =	vand.u32 $0xFFFF, v0  }
0x72: {  	v1 =	vcvt.s32.f32 v1  }
0x73: {  	v0 =	vshra.s32 v0, $0x10  }
0x74: {  	v2 =	vadd.s32 $0x101, v0;
	v1 =	vmul.f32 $1.525902190e-05, v1;
	_ =	sdelay $0x1  }
0x75: {  	v3 =	vsub.f32 $1.000000000e+00, v1;
	_ =	sdelay $0x1  }
0x76: {  	[tilespmem:v0+s7+$0x0] =	vst.idx.add.f32.msk $0xffff, v3  }
0x77: {  	[tilespmem:v2+s7+$0x0] =	vst.idx.add.f32.msk $0xffff, v1  }
0x78: {  	v0 =	vld [tilespmem:s16+$0x40];
	_ =	sdelay $0x4  }
0x79: {  	v1 =	vand.u32 $0xFFFF, v0  }
0x7a: {  	v1 =	vcvt.s32.f32 v1  }
0x7b: {  	v0 =	vshra.s32 v0, $0x10  }
0x7c: {  	v2 =	vadd.s32 $0x101, v0;
	v1 =	vmul.f32 $1.525902190e-05, v1;
	_ =	sdelay $0x1  }
0x7d: {  	v3 =	vsub.f32 $1.000000000e+00, v1;
	_ =	sdelay $0x1  }
0x7e: {  	[tilespmem:v0+s7+$0x0] =	vst.idx.add.f32.msk $0xffff, v3  }
0x7f: {  	[tilespmem:v2+s7+$0x0] =	vst.idx.add.f32.msk $0xffff, v1  }
0x80: {  	v0 =	vld [tilespmem:s16+$0x50];
	_ =	sdelay $0x4  }
0x81: {  	v1 =	vand.u32 $0xFFFF, v0  }
0x82: {  	v1 =	vcvt.s32.f32 v1  }
0x83: {  	v0 =	vshra.s32 v0, $0x10  }
0x84: {  	v2 =	vadd.s32 $0x101, v0;
	v1 =	vmul.f32 $1.525902190e-05, v1;
	_ =	sdelay $0x1  }
0x85: {  	v3 =	vsub.f32 $1.000000000e+00, v1;
	_ =	sdelay $0x1  }
0x86: {  	[tilespmem:v0+s7+$0x0] =	vst.idx.add.f32.msk $0xffff, v3  }
0x87: {  	[tilespmem:v2+s7+$0x0] =	vst.idx.add.f32.msk $0xffff, v1  }
0x88: {  	v0 =	vld [tilespmem:s16+$0x60];
	_ =	sdelay $0x4  }
0x89: {  	v1 =	vand.u32 $0xFFFF, v0  }
0x8a: {  	v1 =	vcvt.s32.f32 v1  }
0x8b: {  	v0 =	vshra.s32 v0, $0x10  }
0x8c: {  	v2 =	vadd.s32 $0x101, v0;
	v1 =	vmul.f32 $1.525902190e-05, v1;
	_ =	sdelay $0x1  }
0x8d: {  	v3 =	vsub.f32 $1.000000000e+00, v1;
	_ =	sdelay $0x1  }
0x8e: {  	[tilespmem:v0+s7+$0x0] =	vst.idx.add.f32.msk $0xffff, v3  }
0x8f: {  	[tilespmem:v2+s7+$0x0] =	vst.idx.add.f32.msk $0xffff, v1  }
0x90: {  	v0 =	vld [tilespmem:s16+$0x70];
	_ =	sdelay $0x4  }
0x91: {  	v1 =	vand.u32 $0xFFFF, v0  }
0x92: {  	v1 =	vcvt.s32.f32 v1  }
0x93: {  	v2 =	vshra.s32 v0, $0x10  }
.Ltmp0:
0x94: {  	v0 =	vmul.f32 $1.525902190e-05, v1;
	v1 =	vadd.s32 $0x101, v2;
	(pc) =	sbr.rel @p0 .LBB2_2-.Ltmp0, $3  }
0x95: {  	_ = 	snop  }
0x96: {  	v3 =	vsub.f32 $1.000000000e+00, v0;
	_ =	sdelay $0x1  }
0x97: {  	[tilespmem:v2+s7+$0x0] =	vst.idx.add.f32.msk $0xffff, v3  }
0x98: {  	_ =	sdelay $0x3  }
0x99: {  	s14 =	sshra.s32 s14, $0x2;
	[tilespmem:v1+s7+$0x0] =	vst.idx.add.f32.msk $0xffff, v0  }
0x9a: {  	v0 =	vld [tilespmem:s14+$0x0];
	_ =	sdelay $0x4  }
0x9b: {  	v42 =	vand.u32 $0xFFFF, v0  }
0x9c: {  	v1 =	vcvt.s32.f32 v42  }
0x9d: {  	v0 =	vshra.s32 v0, $0x10  }
0x9e: {  	v2 =	vadd.s32 $0x101, v0;
	v1 =	vmul.f32 $1.525902190e-05, v1;
	_ =	sdelay $0x1  }
0x9f: {  	v3 =	vsub.f32 $1.000000000e+00, v1;
	_ =	sdelay $0x1  }
0xa0: {  	[tilespmem:v0+s7+$0x0] =	vst.idx.add.f32.msk $0xffff, v3  }
0xa1: {  	[tilespmem:v2+s7+$0x0] =	vst.idx.add.f32.msk $0xffff, v1  }
0xa2: {  	v0 =	vld [tilespmem:s14+$0x10];
	_ =	sdelay $0x4  }
0xa3: {  	v43 =	vand.u32 $0xFFFF, v0  }
0xa4: {  	v1 =	vcvt.s32.f32 v43  }
0xa5: {  	v0 =	vshra.s32 v0, $0x10  }
0xa6: {  	v44 =	vadd.s32 $0x101, v0;
	v1 =	vmul.f32 $1.525902190e-05, v1;
	_ =	sdelay $0x1  }
0xa7: {  	v45 =	vsub.f32 $1.000000000e+00, v1;
	_ =	sdelay $0x1  }
0xa8: {  	[tilespmem:v0+s7+$0x0] =	vst.idx.add.f32.msk $0xffff, v45  }
0xa9: {  	[tilespmem:v44+s7+$0x0] =	vst.idx.add.f32.msk $0xffff, v1  }
0xaa: {  	v0 =	vld [tilespmem:s14+$0x20];
	_ =	sdelay $0x4  }
0xab: {  	v46 =	vand.u32 $0xFFFF, v0  }
0xac: {  	v1 =	vcvt.s32.f32 v46  }
0xad: {  	v0 =	vshra.s32 v0, $0x10  }
0xae: {  	v47 =	vadd.s32 $0x101, v0;
	v1 =	vmul.f32 $1.525902190e-05, v1;
	_ =	sdelay $0x1  }
0xaf: {  	v48 =	vsub.f32 $1.000000000e+00, v1;
	_ =	sdelay $0x1  }
0xb0: {  	[tilespmem:v0+s7+$0x0] =	vst.idx.add.f32.msk $0xffff, v48  }
0xb1: {  	[tilespmem:v47+s7+$0x0] =	vst.idx.add.f32.msk $0xffff, v1  }
0xb2: {  	v0 =	vld [tilespmem:s14+$0x30];
	_ =	sdelay $0x4  }
0xb3: {  	v49 =	vand.u32 $0xFFFF, v0  }
0xb4: {  	v1 =	vcvt.s32.f32 v49  }
0xb5: {  	v0 =	vshra.s32 v0, $0x10  }
0xb6: {  	v50 =	vadd.s32 $0x101, v0;
	v1 =	vmul.f32 $1.525902190e-05, v1;
	_ =	sdelay $0x1  }
0xb7: {  	v51 =	vsub.f32 $1.000000000e+00, v1;
	_ =	sdelay $0x1  }
0xb8: {  	[tilespmem:v0+s7+$0x0] =	vst.idx.add.f32.msk $0xffff, v51  }
0xb9: {  	[tilespmem:v50+s7+$0x0] =	vst.idx.add.f32.msk $0xffff, v1  }
0xba: {  	v0 =	vld [tilespmem:s14+$0x40];
	_ =	sdelay $0x4  }
0xbb: {  	v52 =	vand.u32 $0xFFFF, v0  }
0xbc: {  	v1 =	vcvt.s32.f32 v52  }
0xbd: {  	v0 =	vshra.s32 v0, $0x10  }
0xbe: {  	v53 =	vadd.s32 $0x101, v0;
	v1 =	vmul.f32 $1.525902190e-05, v1;
	_ =	sdelay $0x1  }
0xbf: {  	v54 =	vsub.f32 $1.000000000e+00, v1;
	_ =	sdelay $0x1  }
0xc0: {  	[tilespmem:v0+s7+$0x0] =	vst.idx.add.f32.msk $0xffff, v54  }
0xc1: {  	[tilespmem:v53+s7+$0x0] =	vst.idx.add.f32.msk $0xffff, v1  }
0xc2: {  	v0 =	vld [tilespmem:s14+$0x50];
	_ =	sdelay $0x4  }
0xc3: {  	v55 =	vand.u32 $0xFFFF, v0  }
0xc4: {  	v1 =	vcvt.s32.f32 v55  }
0xc5: {  	v0 =	vshra.s32 v0, $0x10  }
0xc6: {  	v56 =	vadd.s32 $0x101, v0;
	v1 =	vmul.f32 $1.525902190e-05, v1;
	_ =	sdelay $0x1  }
0xc7: {  	v57 =	vsub.f32 $1.000000000e+00, v1;
	_ =	sdelay $0x1  }
0xc8: {  	[tilespmem:v0+s7+$0x0] =	vst.idx.add.f32.msk $0xffff, v57  }
0xc9: {  	[tilespmem:v56+s7+$0x0] =	vst.idx.add.f32.msk $0xffff, v1  }
0xca: {  	v0 =	vld [tilespmem:s14+$0x60];
	_ =	sdelay $0x4  }
0xcb: {  	v58 =	vand.u32 $0xFFFF, v0  }
0xcc: {  	v1 =	vcvt.s32.f32 v58  }
0xcd: {  	v0 =	vshra.s32 v0, $0x10  }
0xce: {  	v59 =	vadd.s32 $0x101, v0;
	v1 =	vmul.f32 $1.525902190e-05, v1;
	_ =	sdelay $0x1  }
0xcf: {  	v60 =	vsub.f32 $1.000000000e+00, v1;
	_ =	sdelay $0x1  }
0xd0: {  	[tilespmem:v0+s7+$0x0] =	vst.idx.add.f32.msk $0xffff, v60  }
0xd1: {  	[tilespmem:v59+s7+$0x0] =	vst.idx.add.f32.msk $0xffff, v1  }
0xd2: {  	v0 =	vld [tilespmem:s14+$0x70];
	_ =	sdelay $0x4  }
0xd3: {  	v61 =	vand.u32 $0xFFFF, v0  }
0xd4: {  	v1 =	vcvt.s32.f32 v61  }
0xd5: {  	v0 =	vshra.s32 v0, $0x10  }
0xd6: {  	v62 =	vadd.s32 $0x101, v0;
	v1 =	vmul.f32 $1.525902190e-05, v1;
	_ =	sdelay $0x1  }
0xd7: {  	v63 =	vsub.f32 $1.000000000e+00, v1  }
0xd8: {  	s13 =	sadd.s32 $0x1, s13  }
0xd9: {  	p0 =	sne.s32 s13, s6;
	[tilespmem:v0+s7+$0x0] =	vst.idx.add.f32.msk $0xffff, v63  }
.Ltmp1:
0xda: {  	[tilespmem:v62+s7+$0x0] =	vst.idx.add.f32.msk $0xffff, v1;
	(pc) =	sbr.rel @p0 .LBB2_1-.Ltmp1, $4  }
0xdb: {  	[hbm4b:s5+s10] =	stream.strided.scatter [tilespmem:s7], [sflag:$0x3], $0x4000, s11, s10, $0x38;
	[tilespmem:$0x6000] =	vst v63  }
0xdc: {  	_ =	swait.ge [sflag:s12], $0x4000  }
0xdd: {  	[sflag:s12] =	ssyncset.done $0x0  }
0xde: {  	[sflag:s12] =	ssyncadd.s32 $0xFFFFC000  }
0xdf: {  	_ =	sfence.sel $0x180000  }
0xe0: {  	[bflag:$0x0] =	sbarrier.arrive $0xFFFF  }
0xe1: {  	p0 =	sne.s32 s1, $0x0;
	_ =	strace $0x90000047  }
0xe2: {  	s0 =	sadd.s32 @!p0 $0x100000, s0;
	[bflag:$0x2] =	sbarrier.arrive $0xFFFF  }
0xe3: {  	[sflag:s0] =	ssyncadd.tile.s32 @!p0 $0x1;
	_ =	shalt  }
.Lfunc_end2:
_tile_overlayer_lowered:
.L_overlay_start_2:
0xe4: {  	(tag) =	ssettag $0x2  }
0xe5: {  	s0 =	rddreg [dreg:$0x0];
	s2 =	stileid.u32  }
0xe6: {  	s1 =	rddreg [dreg:$0x1];
	p0 =	sne.s32 s2, $0x0  }
0xe7: {  	s3 =	rddreg [dreg:$0x2];
	[bflag:$0x3] =	sbarrier.arrive $0xFFFF;
	s2 =	simm.s32 @!p0 $0x1C03  }
0xe8: {  	[timem:s3], [sflag:s2] =	dma.local @!p0 [hbm:s0], s1  }
0xe9: {  	s0 =	simm.s32 @!p0 $0x3  }
0xea: {  	_ =	swait.ge @!p0 [sflag:s0], s1  }
0xeb: {  	s1 =	ssub.s32 @!p0 $0x0, s1;
	[sflag:s0] =	ssyncset.done @!p0 $0x0  }
0xec: {  	[sflag:s0] =	ssyncadd.s32 @!p0 s1  }
0xed: {  	[bflag:$0x3] =	sbarrier.arrive $0xFFFF  }
0xee: {  	_ =	shalt  }

</sc_bundles>
